<compile_context>
chip_gen: v7x
topology: tpu7x:2x2x1
jax: 0.10.2.dev20260603
libtpu: 0.0.44.dev20260713+nightly
codegen_flags: <defaults>
</compile_context>

<pallas_src>
import functools

import jax
import jax.numpy as jnp
from jax import lax
from jax.experimental import pallas as pl
from jax.experimental.pallas import tpu as pltpu
from jax.experimental.pallas import tpu_sc as plsc

_NC = 2
_NS = 16
_NW = _NC * _NS
_L = 16

_P = 4
_D = 16
_A = 16
_OUT = _P * _D + _A


def _make_sc_kernel(rows, n_sym, n_cat, chunk):
    rpw = rows // _NW
    mesh = plsc.VectorSubcoreMesh(core_axis_name="c", subcore_axis_name="s")

    @functools.partial(
        pl.kernel,
        out_type=jax.ShapeDtypeStruct((rows, _OUT), jnp.float32),
        mesh=mesh,
        compiler_params=pltpu.CompilerParams(use_tc_tiling_on_sc=False),
        scratch_types=[
            pltpu.VMEM((chunk,), jnp.int32),
            pltpu.VMEM((chunk,), jnp.int32),
            pltpu.VMEM((chunk,), jnp.int32),
            pltpu.VMEM((chunk, _D), jnp.float32),
            pltpu.SemaphoreType.DMA,
        ],
    )
    def k(idx_hbm, sym_hbm, pat_hbm, aug_hbm, out_hbm,
          idx_v, addr_v, sidx_v, buf_v, sem):
        wid = lax.axis_index("s") * _NC + lax.axis_index("c")

        @pl.loop(0, rpw // chunk)
        def _chunk(ci):
            base = wid * rpw + ci * chunk
            pltpu.sync_copy(idx_hbm.at[pl.ds(base, chunk)], idx_v)
            pltpu.async_copy(aug_hbm.at[idx_v], buf_v, sem).wait()
            pltpu.sync_copy(
                buf_v, out_hbm.at[pl.ds(base, chunk), pl.ds(_P * _D, _A)])
            for p in range(_P):
                @pl.loop(0, chunk, step=_L)
                def _addr(j):
                    addr_v[pl.ds(j, _L)] = idx_v[pl.ds(j, _L)] + p * n_cat
                pltpu.async_copy(pat_hbm.at[addr_v], sidx_v, sem).wait()
                pltpu.async_copy(sym_hbm.at[sidx_v], buf_v, sem).wait()
                pltpu.sync_copy(
                    buf_v, out_hbm.at[pl.ds(base, chunk), pl.ds(p * _D, _D)])

    return k


def kernel(inputs, symbols, pattern, augments):
    b, f = inputs.shape
    rows = b * f
    idx_flat = inputs.reshape(rows).astype(jnp.int32)
    pattern_flat = pattern.T.reshape(-1).astype(jnp.int32)
    chunk = 416
    k = _make_sc_kernel(rows, symbols.shape[0], pattern.shape[0], chunk)
    out = k(idx_flat, symbols, pattern_flat, augments)
    return out.reshape(b, f, _OUT)

# --- scband reference (transcript-rebuilt; emitter-appended) ---
"""Pipeline reference for scband-symbolic-embeddings-74500502716446 (READ-ONLY COPY).

The authoritative reference and input builder live on the scoring server;
editing this copy changes nothing except your own understanding.
"""

import jax, jax.numpy as jnp
import numpy as np

N_CATEGORIES = 1000000
N_SYMBOLS = 1024
PATTERN_LENGTH = 4
SYMBOL_DIM = 16
AUGMENT_DIM = 16
BATCH = 4096
N_FIELDS = 26


def setup_inputs(seed: int = 0) -> dict:
    key = jax.random.key(seed)
    k1, k2, k3, k4 = jax.random.split(key, 4)
    # forward arg: category indices
    inputs = jax.random.randint(k1, (BATCH, N_FIELDS), 0, N_CATEGORIES)
    # learned / buffer parameters per __init__
    # pattern: fixed symbol-index pattern per category (built in build_pattern)
    pattern = jax.random.randint(k2, (N_CATEGORIES, PATTERN_LENGTH), 0, N_SYMBOLS)
    # symbols: nn.Parameter(n_symbols, symbol_dim)
    symbols = jax.random.normal(k3, (N_SYMBOLS, SYMBOL_DIM), dtype=jnp.float32) * (1.0 / np.sqrt(SYMBOL_DIM))
    # augments: nn.Parameter(n_categories, augment_dim)
    augments = jax.random.normal(k4, (N_CATEGORIES, AUGMENT_DIM), dtype=jnp.float32) * 0.02
    return {"inputs": inputs, "symbols": symbols, "pattern": pattern, "augments": augments}


def reference(inputs, symbols, pattern, augments):
    # _get_symbols: gather each category's symbol pattern, then the symbol vectors
    sym_idx = jnp.take(pattern, inputs, axis=0)          # [B, F, P]
    embeds = jnp.take(symbols, sym_idx, axis=0)          # [B, F, P, D]
    # mode == 'concat': view(*inputs.size(), -1)
    embeds = embeds.reshape(inputs.shape[0], inputs.shape[1], -1)  # [B, F, P*D]
    # augments is not None: augments[inputs], concat on last dim
    aug = jnp.take(augments, inputs, axis=0)             # [B, F, A]
    out = jnp.concatenate([embeds, aug], axis=-1)        # [B, F, P*D + A]
    return out

if __name__ == "__main__":
    import jax
    _d = setup_inputs()
    print(jax.jit(kernel)(*tuple(_d.values())))

</pallas_src>

<mosaic_0001>
#map = affine_map<(d0, d1) -> (0)>
#map1 = affine_map<(d0, d1) -> (0, 0)>
module attributes {stable_mosaic.version = 14 : i64} {
  func.func @k(%arg0: i32, %arg1: i32, %arg2: memref<106496xi32, #tpu.memory_space<hbm>>, %arg3: memref<1024x16xf32, #tpu.memory_space<hbm>>, %arg4: memref<4000000xi32, #tpu.memory_space<hbm>>, %arg5: memref<1000000x16xf32, #tpu.memory_space<hbm>>, %arg6: memref<106496x80xf32, #tpu.memory_space<hbm>>, %arg7: memref<416xi32, #tpu.memory_space<vmem>>, %arg8: memref<416xi32, #tpu.memory_space<vmem>>, %arg9: memref<416xi32, #tpu.memory_space<vmem>>, %arg10: memref<416x16xf32, #tpu.memory_space<vmem>>, %arg11: memref<!tpu.dma_semaphore, #tpu.memory_space<semaphore_mem>>) attributes {dimension_semantics = [#tpu.dimension_semantics<core_parallel>, #tpu.dimension_semantics<subcore_parallel>], iteration_bounds = array<i64: 2, 16>, scalar_prefetch = 0 : i64, scratch_operands = 5 : i64, tpu.core_type = #tpu.core_type<sc_vector_subcore>, window_params = [{transform_indices = #map}, {transform_indices = #map1}, {transform_indices = #map}, {transform_indices = #map1}, {transform_indices = #map1}]} {
    %mul3A = arith.constant 2 : i32
    %mul3A_0 = arith.muli %arg1, %mul3A : i32
    %add3A = arith.addi %mul3A_0, %arg0 : i32
    %scan3A = arith.constant 0 : i32
    %scan3A_1 = arith.constant 8 : i32
    %scan3A_2 = arith.addi %scan3A, %scan3A_1 : i32
    %scan3A_3 = arith.constant 1 : i32
    scf.for %scan3A_5 = %scan3A to %scan3A_2 step %scan3A_3  : i32 {
      %mul3A_6 = arith.constant 1 : i32
      %mul3A_7 = arith.muli %scan3A_5, %mul3A_6 : i32
      %add3A_8 = arith.constant 0 : i32
      %add3A_9 = arith.addi %add3A_8, %mul3A_7 : i32
      %mul3A_10 = arith.constant 3328 : i32
      %mul3A_11 = arith.muli %add3A, %mul3A_10 : i32
      %mul3A_12 = arith.constant 416 : i32
      %mul3A_13 = arith.muli %add3A_9, %mul3A_12 : i32
      %add3A_14 = arith.addi %mul3A_11, %mul3A_13 : i32
      "tpu.region"() ({
        %run_scoped3A = tpu.sem_alloc : memref<!tpu.dma_semaphore, #tpu.memory_space<semaphore_mem>>
        %dma_start3A_79 = tpu.memref_slice %arg2[%add3A_14] : memref<106496xi32, #tpu.memory_space<hbm>> -> memref<416xi32, #tpu.memory_space<hbm>>
        %dma_start3A_80 = tpu.memref_slice %arg2[%add3A_14] : memref<106496xi32, #tpu.memory_space<hbm>> -> memref<416xi32, #tpu.memory_space<hbm>>
        tpu.enqueue_dma source(%dma_start3A_80 : memref<416xi32, #tpu.memory_space<hbm>>) target(%arg7 : memref<416xi32, #tpu.memory_space<vmem>>) target_semaphore(%run_scoped3A : memref<!tpu.dma_semaphore, #tpu.memory_space<semaphore_mem>>)
        %dma_wait3A_81 = tpu.memref_slice %arg2[%add3A_14] : memref<106496xi32, #tpu.memory_space<hbm>> -> memref<416xi32, #tpu.memory_space<hbm>>
        %dma_wait3A_82 = tpu.memref_slice %arg2[%add3A_14] : memref<106496xi32, #tpu.memory_space<hbm>> -> memref<416xi32, #tpu.memory_space<hbm>>
        tpu.wait_dma2 semaphore(%run_scoped3A : memref<!tpu.dma_semaphore, #tpu.memory_space<semaphore_mem>>) src(%dma_wait3A_82 : memref<416xi32, #tpu.memory_space<hbm>>) dst(%arg7 : memref<416xi32, #tpu.memory_space<vmem>>)
        tpu.yield
      }) : () -> ()
      %dma_start3A = arith.constant 0 : i32
      %dma_start3A_15 = arith.constant 0 : i32
      %dma_start3A_16 = tpu.memref_slice %arg5[%dma_start3A, %dma_start3A_15] : memref<1000000x16xf32, #tpu.memory_space<hbm>> -> memref<1000000x16xf32, #tpu.memory_space<hbm>>
      tpu.enqueue_indirect_dma source(%dma_start3A_16 : memref<1000000x16xf32, #tpu.memory_space<hbm>>) target(%arg10 : memref<416x16xf32, #tpu.memory_space<vmem>>) offsets(%arg7 : memref<416xi32, #tpu.memory_space<vmem>>) semaphore(%arg11 : memref<!tpu.dma_semaphore, #tpu.memory_space<semaphore_mem>>)
      %dma_wait3A = arith.constant 0 : i32
      %dma_wait3A_17 = arith.constant 0 : i32
      %dma_wait3A_18 = tpu.memref_slice %arg5[%dma_wait3A, %dma_wait3A_17] : memref<1000000x16xf32, #tpu.memory_space<hbm>> -> memref<1000000x16xf32, #tpu.memory_space<hbm>>
      tpu.wait_indirect_dma semaphore(%arg11 : memref<!tpu.dma_semaphore, #tpu.memory_space<semaphore_mem>>) src(%dma_wait3A_18 : memref<1000000x16xf32, #tpu.memory_space<hbm>>) dst(%arg10 : memref<416x16xf32, #tpu.memory_space<vmem>>)
      "tpu.region"() ({
        %run_scoped3A = tpu.sem_alloc : memref<!tpu.dma_semaphore, #tpu.memory_space<semaphore_mem>>
        %dma_start3A_79 = arith.constant 64 : i32
        %dma_start3A_80 = tpu.memref_slice %arg6[%add3A_14, %dma_start3A_79] : memref<106496x80xf32, #tpu.memory_space<hbm>> -> memref<416x16xf32, #tpu.memory_space<hbm>>
        %dma_start3A_81 = arith.constant 64 : i32
        %dma_start3A_82 = tpu.memref_slice %arg6[%add3A_14, %dma_start3A_81] : memref<106496x80xf32, #tpu.memory_space<hbm>> -> memref<416x16xf32, #tpu.memory_space<hbm>>
        tpu.enqueue_dma source(%arg10 : memref<416x16xf32, #tpu.memory_space<vmem>>) target(%dma_start3A_82 : memref<416x16xf32, #tpu.memory_space<hbm>>) target_semaphore(%run_scoped3A : memref<!tpu.dma_semaphore, #tpu.memory_space<semaphore_mem>>)
        %dma_wait3A_83 = arith.constant 64 : i32
        %dma_wait3A_84 = tpu.memref_slice %arg6[%add3A_14, %dma_wait3A_83] : memref<106496x80xf32, #tpu.memory_space<hbm>> -> memref<416x16xf32, #tpu.memory_space<hbm>>
        %dma_wait3A_85 = arith.constant 64 : i32
        %dma_wait3A_86 = tpu.memref_slice %arg6[%add3A_14, %dma_wait3A_85] : memref<106496x80xf32, #tpu.memory_space<hbm>> -> memref<416x16xf32, #tpu.memory_space<hbm>>
        tpu.wait_dma2 semaphore(%run_scoped3A : memref<!tpu.dma_semaphore, #tpu.memory_space<semaphore_mem>>) src(%arg10 : memref<416x16xf32, #tpu.memory_space<vmem>>) dst(%dma_wait3A_86 : memref<416x16xf32, #tpu.memory_space<hbm>>)
        tpu.yield
      }) : () -> ()
      %scan3A_19 = arith.constant 0 : i32
      %scan3A_20 = arith.constant 26 : i32
      %scan3A_21 = arith.addi %scan3A_19, %scan3A_20 : i32
      %scan3A_22 = arith.constant 1 : i32
      scf.for %scan3A_79 = %scan3A_19 to %scan3A_21 step %scan3A_22  : i32 {
        %mul3A_80 = arith.constant 16 : i32
        %mul3A_81 = arith.muli %scan3A_79, %mul3A_80 : i32
        %add3A_82 = arith.constant 0 : i32
        %add3A_83 = arith.addi %add3A_82, %mul3A_81 : i32
        %get3A = arith.index_cast %add3A_83 : i32 to index
        %get3A_84 = tpu.vector_load %arg7[%get3A] {strides = array<i32>} : memref<416xi32, #tpu.memory_space<vmem>>, vector<16xi32>,
        %get3A_85 = vector.shape_cast %get3A_84 : vector<16xi32> to vector<16xi32>
        %add3A_86 = arith.constant 0 : i32
        %add3A_87 = vector.broadcast %add3A_86 : i32 to vector<16xi32>
        %add3A_88 = arith.addi %get3A_85, %add3A_87 : vector<16xi32>
        %swap3A = arith.index_cast %add3A_83 : i32 to index
        %swap3A_89 = tpu.vector_load %arg8[%swap3A] {strides = array<i32>} : memref<416xi32, #tpu.memory_space<vmem>>, vector<16xi32>,
        %swap3A_90 = vector.shape_cast %swap3A_89 : vector<16xi32> to vector<16xi32>
        %swap3A_91 = vector.shape_cast %add3A_88 : vector<16xi32> to vector<16xi32>
        tpu.vector_store %arg8[%swap3A], %swap3A_91 {strides = array<i32>} : memref<416xi32, #tpu.memory_space<vmem>>, vector<16xi32>,
      }
      %scan3A_23 = arith.constant 26 : i32
      %dma_start3A_24 = arith.constant 0 : i32
      %dma_start3A_25 = tpu.memref_slice %arg4[%dma_start3A_24] : memref<4000000xi32, #tpu.memory_space<hbm>> -> memref<4000000xi32, #tpu.memory_space<hbm>>
      tpu.enqueue_indirect_dma source(%dma_start3A_25 : memref<4000000xi32, #tpu.memory_space<hbm>>) target(%arg9 : memref<416xi32, #tpu.memory_space<vmem>>) offsets(%arg8 : memref<416xi32, #tpu.memory_space<vmem>>) semaphore(%arg11 : memref<!tpu.dma_semaphore, #tpu.memory_space<semaphore_mem>>)
      %dma_wait3A_26 = arith.constant 0 : i32
      %dma_wait3A_27 = tpu.memref_slice %arg4[%dma_wait3A_26] : memref<4000000xi32, #tpu.memory_space<hbm>> -> memref<4000000xi32, #tpu.memory_space<hbm>>
      tpu.wait_indirect_dma semaphore(%arg11 : memref<!tpu.dma_semaphore, #tpu.memory_space<semaphore_mem>>) src(%dma_wait3A_27 : memref<4000000xi32, #tpu.memory_space<hbm>>) dst(%arg9 : memref<416xi32, #tpu.memory_space<vmem>>)
      %dma_start3A_28 = arith.constant 0 : i32
      %dma_start3A_29 = arith.constant 0 : i32
      %dma_start3A_30 = tpu.memref_slice %arg3[%dma_start3A_28, %dma_start3A_29] : memref<1024x16xf32, #tpu.memory_space<hbm>> -> memref<1024x16xf32, #tpu.memory_space<hbm>>
      tpu.enqueue_indirect_dma source(%dma_start3A_30 : memref<1024x16xf32, #tpu.memory_space<hbm>>) target(%arg10 : memref<416x16xf32, #tpu.memory_space<vmem>>) offsets(%arg9 : memref<416xi32, #tpu.memory_space<vmem>>) semaphore(%arg11 : memref<!tpu.dma_semaphore, #tpu.memory_space<semaphore_mem>>)
      %dma_wait3A_31 = arith.constant 0 : i32
      %dma_wait3A_32 = arith.constant 0 : i32
      %dma_wait3A_33 = tpu.memref_slice %arg3[%dma_wait3A_31, %dma_wait3A_32] : memref<1024x16xf32, #tpu.memory_space<hbm>> -> memref<1024x16xf32, #tpu.memory_space<hbm>>
      tpu.wait_indirect_dma semaphore(%arg11 : memref<!tpu.dma_semaphore, #tpu.memory_space<semaphore_mem>>) src(%dma_wait3A_33 : memref<1024x16xf32, #tpu.memory_space<hbm>>) dst(%arg10 : memref<416x16xf32, #tpu.memory_space<vmem>>)
      "tpu.region"() ({
        %run_scoped3A = tpu.sem_alloc : memref<!tpu.dma_semaphore, #tpu.memory_space<semaphore_mem>>
        %dma_start3A_79 = arith.constant 0 : i32
        %dma_start3A_80 = tpu.memref_slice %arg6[%add3A_14, %dma_start3A_79] : memref<106496x80xf32, #tpu.memory_space<hbm>> -> memref<416x16xf32, #tpu.memory_space<hbm>>
        %dma_start3A_81 = arith.constant 0 : i32
        %dma_start3A_82 = tpu.memref_slice %arg6[%add3A_14, %dma_start3A_81] : memref<106496x80xf32, #tpu.memory_space<hbm>> -> memref<416x16xf32, #tpu.memory_space<hbm>>
        tpu.enqueue_dma source(%arg10 : memref<416x16xf32, #tpu.memory_space<vmem>>) target(%dma_start3A_82 : memref<416x16xf32, #tpu.memory_space<hbm>>) target_semaphore(%run_scoped3A : memref<!tpu.dma_semaphore, #tpu.memory_space<semaphore_mem>>)
        %dma_wait3A_83 = arith.constant 0 : i32
        %dma_wait3A_84 = tpu.memref_slice %arg6[%add3A_14, %dma_wait3A_83] : memref<106496x80xf32, #tpu.memory_space<hbm>> -> memref<416x16xf32, #tpu.memory_space<hbm>>
        %dma_wait3A_85 = arith.constant 0 : i32
        %dma_wait3A_86 = tpu.memref_slice %arg6[%add3A_14, %dma_wait3A_85] : memref<106496x80xf32, #tpu.memory_space<hbm>> -> memref<416x16xf32, #tpu.memory_space<hbm>>
        tpu.wait_dma2 semaphore(%run_scoped3A : memref<!tpu.dma_semaphore, #tpu.memory_space<semaphore_mem>>) src(%arg10 : memref<416x16xf32, #tpu.memory_space<vmem>>) dst(%dma_wait3A_86 : memref<416x16xf32, #tpu.memory_space<hbm>>)
        tpu.yield
      }) : () -> ()
      %scan3A_34 = arith.constant 0 : i32
      %scan3A_35 = arith.constant 26 : i32
      %scan3A_36 = arith.addi %scan3A_34, %scan3A_35 : i32
      %scan3A_37 = arith.constant 1 : i32
      scf.for %scan3A_79 = %scan3A_34 to %scan3A_36 step %scan3A_37  : i32 {
        %mul3A_80 = arith.constant 16 : i32
        %mul3A_81 = arith.muli %scan3A_79, %mul3A_80 : i32
        %add3A_82 = arith.constant 0 : i32
        %add3A_83 = arith.addi %add3A_82, %mul3A_81 : i32
        %get3A = arith.index_cast %add3A_83 : i32 to index
        %get3A_84 = tpu.vector_load %arg7[%get3A] {strides = array<i32>} : memref<416xi32, #tpu.memory_space<vmem>>, vector<16xi32>,
        %get3A_85 = vector.shape_cast %get3A_84 : vector<16xi32> to vector<16xi32>
        %add3A_86 = arith.constant 1000000 : i32
        %add3A_87 = vector.broadcast %add3A_86 : i32 to vector<16xi32>
        %add3A_88 = arith.addi %get3A_85, %add3A_87 : vector<16xi32>
        %swap3A = arith.index_cast %add3A_83 : i32 to index
        %swap3A_89 = tpu.vector_load %arg8[%swap3A] {strides = array<i32>} : memref<416xi32, #tpu.memory_space<vmem>>, vector<16xi32>,
        %swap3A_90 = vector.shape_cast %swap3A_89 : vector<16xi32> to vector<16xi32>
        %swap3A_91 = vector.shape_cast %add3A_88 : vector<16xi32> to vector<16xi32>
        tpu.vector_store %arg8[%swap3A], %swap3A_91 {strides = array<i32>} : memref<416xi32, #tpu.memory_space<vmem>>, vector<16xi32>,
      }
      %scan3A_38 = arith.constant 26 : i32
      %dma_start3A_39 = arith.constant 0 : i32
      %dma_start3A_40 = tpu.memref_slice %arg4[%dma_start3A_39] : memref<4000000xi32, #tpu.memory_space<hbm>> -> memref<4000000xi32, #tpu.memory_space<hbm>>
      tpu.enqueue_indirect_dma source(%dma_start3A_40 : memref<4000000xi32, #tpu.memory_space<hbm>>) target(%arg9 : memref<416xi32, #tpu.memory_space<vmem>>) offsets(%arg8 : memref<416xi32, #tpu.memory_space<vmem>>) semaphore(%arg11 : memref<!tpu.dma_semaphore, #tpu.memory_space<semaphore_mem>>)
      %dma_wait3A_41 = arith.constant 0 : i32
      %dma_wait3A_42 = tpu.memref_slice %arg4[%dma_wait3A_41] : memref<4000000xi32, #tpu.memory_space<hbm>> -> memref<4000000xi32, #tpu.memory_space<hbm>>
      tpu.wait_indirect_dma semaphore(%arg11 : memref<!tpu.dma_semaphore, #tpu.memory_space<semaphore_mem>>) src(%dma_wait3A_42 : memref<4000000xi32, #tpu.memory_space<hbm>>) dst(%arg9 : memref<416xi32, #tpu.memory_space<vmem>>)
      %dma_start3A_43 = arith.constant 0 : i32
      %dma_start3A_44 = arith.constant 0 : i32
      %dma_start3A_45 = tpu.memref_slice %arg3[%dma_start3A_43, %dma_start3A_44] : memref<1024x16xf32, #tpu.memory_space<hbm>> -> memref<1024x16xf32, #tpu.memory_space<hbm>>
      tpu.enqueue_indirect_dma source(%dma_start3A_45 : memref<1024x16xf32, #tpu.memory_space<hbm>>) target(%arg10 : memref<416x16xf32, #tpu.memory_space<vmem>>) offsets(%arg9 : memref<416xi32, #tpu.memory_space<vmem>>) semaphore(%arg11 : memref<!tpu.dma_semaphore, #tpu.memory_space<semaphore_mem>>)
      %dma_wait3A_46 = arith.constant 0 : i32
      %dma_wait3A_47 = arith.constant 0 : i32
      %dma_wait3A_48 = tpu.memref_slice %arg3[%dma_wait3A_46, %dma_wait3A_47] : memref<1024x16xf32, #tpu.memory_space<hbm>> -> memref<1024x16xf32, #tpu.memory_space<hbm>>
      tpu.wait_indirect_dma semaphore(%arg11 : memref<!tpu.dma_semaphore, #tpu.memory_space<semaphore_mem>>) src(%dma_wait3A_48 : memref<1024x16xf32, #tpu.memory_space<hbm>>) dst(%arg10 : memref<416x16xf32, #tpu.memory_space<vmem>>)
      "tpu.region"() ({
        %run_scoped3A = tpu.sem_alloc : memref<!tpu.dma_semaphore, #tpu.memory_space<semaphore_mem>>
        %dma_start3A_79 = arith.constant 16 : i32
        %dma_start3A_80 = tpu.memref_slice %arg6[%add3A_14, %dma_start3A_79] : memref<106496x80xf32, #tpu.memory_space<hbm>> -> memref<416x16xf32, #tpu.memory_space<hbm>>
        %dma_start3A_81 = arith.constant 16 : i32
        %dma_start3A_82 = tpu.memref_slice %arg6[%add3A_14, %dma_start3A_81] : memref<106496x80xf32, #tpu.memory_space<hbm>> -> memref<416x16xf32, #tpu.memory_space<hbm>>
        tpu.enqueue_dma source(%arg10 : memref<416x16xf32, #tpu.memory_space<vmem>>) target(%dma_start3A_82 : memref<416x16xf32, #tpu.memory_space<hbm>>) target_semaphore(%run_scoped3A : memref<!tpu.dma_semaphore, #tpu.memory_space<semaphore_mem>>)
        %dma_wait3A_83 = arith.constant 16 : i32
        %dma_wait3A_84 = tpu.memref_slice %arg6[%add3A_14, %dma_wait3A_83] : memref<106496x80xf32, #tpu.memory_space<hbm>> -> memref<416x16xf32, #tpu.memory_space<hbm>>
        %dma_wait3A_85 = arith.constant 16 : i32
        %dma_wait3A_86 = tpu.memref_slice %arg6[%add3A_14, %dma_wait3A_85] : memref<106496x80xf32, #tpu.memory_space<hbm>> -> memref<416x16xf32, #tpu.memory_space<hbm>>
        tpu.wait_dma2 semaphore(%run_scoped3A : memref<!tpu.dma_semaphore, #tpu.memory_space<semaphore_mem>>) src(%arg10 : memref<416x16xf32, #tpu.memory_space<vmem>>) dst(%dma_wait3A_86 : memref<416x16xf32, #tpu.memory_space<hbm>>)
        tpu.yield
      }) : () -> ()
      %scan3A_49 = arith.constant 0 : i32
      %scan3A_50 = arith.constant 26 : i32
      %scan3A_51 = arith.addi %scan3A_49, %scan3A_50 : i32
      %scan3A_52 = arith.constant 1 : i32
      scf.for %scan3A_79 = %scan3A_49 to %scan3A_51 step %scan3A_52  : i32 {
        %mul3A_80 = arith.constant 16 : i32
        %mul3A_81 = arith.muli %scan3A_79, %mul3A_80 : i32
        %add3A_82 = arith.constant 0 : i32
        %add3A_83 = arith.addi %add3A_82, %mul3A_81 : i32
        %get3A = arith.index_cast %add3A_83 : i32 to index
        %get3A_84 = tpu.vector_load %arg7[%get3A] {strides = array<i32>} : memref<416xi32, #tpu.memory_space<vmem>>, vector<16xi32>,
        %get3A_85 = vector.shape_cast %get3A_84 : vector<16xi32> to vector<16xi32>
        %add3A_86 = arith.constant 2000000 : i32
        %add3A_87 = vector.broadcast %add3A_86 : i32 to vector<16xi32>
        %add3A_88 = arith.addi %get3A_85, %add3A_87 : vector<16xi32>
        %swap3A = arith.index_cast %add3A_83 : i32 to index
        %swap3A_89 = tpu.vector_load %arg8[%swap3A] {strides = array<i32>} : memref<416xi32, #tpu.memory_space<vmem>>, vector<16xi32>,
        %swap3A_90 = vector.shape_cast %swap3A_89 : vector<16xi32> to vector<16xi32>
        %swap3A_91 = vector.shape_cast %add3A_88 : vector<16xi32> to vector<16xi32>
        tpu.vector_store %arg8[%swap3A], %swap3A_91 {strides = array<i32>} : memref<416xi32, #tpu.memory_space<vmem>>, vector<16xi32>,
      }
      %scan3A_53 = arith.constant 26 : i32
      %dma_start3A_54 = arith.constant 0 : i32
      %dma_start3A_55 = tpu.memref_slice %arg4[%dma_start3A_54] : memref<4000000xi32, #tpu.memory_space<hbm>> -> memref<4000000xi32, #tpu.memory_space<hbm>>
      tpu.enqueue_indirect_dma source(%dma_start3A_55 : memref<4000000xi32, #tpu.memory_space<hbm>>) target(%arg9 : memref<416xi32, #tpu.memory_space<vmem>>) offsets(%arg8 : memref<416xi32, #tpu.memory_space<vmem>>) semaphore(%arg11 : memref<!tpu.dma_semaphore, #tpu.memory_space<semaphore_mem>>)
      %dma_wait3A_56 = arith.constant 0 : i32
      %dma_wait3A_57 = tpu.memref_slice %arg4[%dma_wait3A_56] : memref<4000000xi32, #tpu.memory_space<hbm>> -> memref<4000000xi32, #tpu.memory_space<hbm>>
      tpu.wait_indirect_dma semaphore(%arg11 : memref<!tpu.dma_semaphore, #tpu.memory_space<semaphore_mem>>) src(%dma_wait3A_57 : memref<4000000xi32, #tpu.memory_space<hbm>>) dst(%arg9 : memref<416xi32, #tpu.memory_space<vmem>>)
      %dma_start3A_58 = arith.constant 0 : i32
      %dma_start3A_59 = arith.constant 0 : i32
      %dma_start3A_60 = tpu.memref_slice %arg3[%dma_start3A_58, %dma_start3A_59] : memref<1024x16xf32, #tpu.memory_space<hbm>> -> memref<1024x16xf32, #tpu.memory_space<hbm>>
      tpu.enqueue_indirect_dma source(%dma_start3A_60 : memref<1024x16xf32, #tpu.memory_space<hbm>>) target(%arg10 : memref<416x16xf32, #tpu.memory_space<vmem>>) offsets(%arg9 : memref<416xi32, #tpu.memory_space<vmem>>) semaphore(%arg11 : memref<!tpu.dma_semaphore, #tpu.memory_space<semaphore_mem>>)
      %dma_wait3A_61 = arith.constant 0 : i32
      %dma_wait3A_62 = arith.constant 0 : i32
      %dma_wait3A_63 = tpu.memref_slice %arg3[%dma_wait3A_61, %dma_wait3A_62] : memref<1024x16xf32, #tpu.memory_space<hbm>> -> memref<1024x16xf32, #tpu.memory_space<hbm>>
      tpu.wait_indirect_dma semaphore(%arg11 : memref<!tpu.dma_semaphore, #tpu.memory_space<semaphore_mem>>) src(%dma_wait3A_63 : memref<1024x16xf32, #tpu.memory_space<hbm>>) dst(%arg10 : memref<416x16xf32, #tpu.memory_space<vmem>>)
      "tpu.region"() ({
        %run_scoped3A = tpu.sem_alloc : memref<!tpu.dma_semaphore, #tpu.memory_space<semaphore_mem>>
        %dma_start3A_79 = arith.constant 32 : i32
        %dma_start3A_80 = tpu.memref_slice %arg6[%add3A_14, %dma_start3A_79] : memref<106496x80xf32, #tpu.memory_space<hbm>> -> memref<416x16xf32, #tpu.memory_space<hbm>>
        %dma_start3A_81 = arith.constant 32 : i32
        %dma_start3A_82 = tpu.memref_slice %arg6[%add3A_14, %dma_start3A_81] : memref<106496x80xf32, #tpu.memory_space<hbm>> -> memref<416x16xf32, #tpu.memory_space<hbm>>
        tpu.enqueue_dma source(%arg10 : memref<416x16xf32, #tpu.memory_space<vmem>>) target(%dma_start3A_82 : memref<416x16xf32, #tpu.memory_space<hbm>>) target_semaphore(%run_scoped3A : memref<!tpu.dma_semaphore, #tpu.memory_space<semaphore_mem>>)
        %dma_wait3A_83 = arith.constant 32 : i32
        %dma_wait3A_84 = tpu.memref_slice %arg6[%add3A_14, %dma_wait3A_83] : memref<106496x80xf32, #tpu.memory_space<hbm>> -> memref<416x16xf32, #tpu.memory_space<hbm>>
        %dma_wait3A_85 = arith.constant 32 : i32
        %dma_wait3A_86 = tpu.memref_slice %arg6[%add3A_14, %dma_wait3A_85] : memref<106496x80xf32, #tpu.memory_space<hbm>> -> memref<416x16xf32, #tpu.memory_space<hbm>>
        tpu.wait_dma2 semaphore(%run_scoped3A : memref<!tpu.dma_semaphore, #tpu.memory_space<semaphore_mem>>) src(%arg10 : memref<416x16xf32, #tpu.memory_space<vmem>>) dst(%dma_wait3A_86 : memref<416x16xf32, #tpu.memory_space<hbm>>)
        tpu.yield
      }) : () -> ()
      %scan3A_64 = arith.constant 0 : i32
      %scan3A_65 = arith.constant 26 : i32
      %scan3A_66 = arith.addi %scan3A_64, %scan3A_65 : i32
      %scan3A_67 = arith.constant 1 : i32
      scf.for %scan3A_79 = %scan3A_64 to %scan3A_66 step %scan3A_67  : i32 {
        %mul3A_80 = arith.constant 16 : i32
        %mul3A_81 = arith.muli %scan3A_79, %mul3A_80 : i32
        %add3A_82 = arith.constant 0 : i32
        %add3A_83 = arith.addi %add3A_82, %mul3A_81 : i32
        %get3A = arith.index_cast %add3A_83 : i32 to index
        %get3A_84 = tpu.vector_load %arg7[%get3A] {strides = array<i32>} : memref<416xi32, #tpu.memory_space<vmem>>, vector<16xi32>,
        %get3A_85 = vector.shape_cast %get3A_84 : vector<16xi32> to vector<16xi32>
        %add3A_86 = arith.constant 3000000 : i32
        %add3A_87 = vector.broadcast %add3A_86 : i32 to vector<16xi32>
        %add3A_88 = arith.addi %get3A_85, %add3A_87 : vector<16xi32>
        %swap3A = arith.index_cast %add3A_83 : i32 to index
        %swap3A_89 = tpu.vector_load %arg8[%swap3A] {strides = array<i32>} : memref<416xi32, #tpu.memory_space<vmem>>, vector<16xi32>,
        %swap3A_90 = vector.shape_cast %swap3A_89 : vector<16xi32> to vector<16xi32>
        %swap3A_91 = vector.shape_cast %add3A_88 : vector<16xi32> to vector<16xi32>
        tpu.vector_store %arg8[%swap3A], %swap3A_91 {strides = array<i32>} : memref<416xi32, #tpu.memory_space<vmem>>, vector<16xi32>,
      }
      %scan3A_68 = arith.constant 26 : i32
      %dma_start3A_69 = arith.constant 0 : i32
      %dma_start3A_70 = tpu.memref_slice %arg4[%dma_start3A_69] : memref<4000000xi32, #tpu.memory_space<hbm>> -> memref<4000000xi32, #tpu.memory_space<hbm>>
      tpu.enqueue_indirect_dma source(%dma_start3A_70 : memref<4000000xi32, #tpu.memory_space<hbm>>) target(%arg9 : memref<416xi32, #tpu.memory_space<vmem>>) offsets(%arg8 : memref<416xi32, #tpu.memory_space<vmem>>) semaphore(%arg11 : memref<!tpu.dma_semaphore, #tpu.memory_space<semaphore_mem>>)
      %dma_wait3A_71 = arith.constant 0 : i32
      %dma_wait3A_72 = tpu.memref_slice %arg4[%dma_wait3A_71] : memref<4000000xi32, #tpu.memory_space<hbm>> -> memref<4000000xi32, #tpu.memory_space<hbm>>
      tpu.wait_indirect_dma semaphore(%arg11 : memref<!tpu.dma_semaphore, #tpu.memory_space<semaphore_mem>>) src(%dma_wait3A_72 : memref<4000000xi32, #tpu.memory_space<hbm>>) dst(%arg9 : memref<416xi32, #tpu.memory_space<vmem>>)
      %dma_start3A_73 = arith.constant 0 : i32
      %dma_start3A_74 = arith.constant 0 : i32
      %dma_start3A_75 = tpu.memref_slice %arg3[%dma_start3A_73, %dma_start3A_74] : memref<1024x16xf32, #tpu.memory_space<hbm>> -> memref<1024x16xf32, #tpu.memory_space<hbm>>
      tpu.enqueue_indirect_dma source(%dma_start3A_75 : memref<1024x16xf32, #tpu.memory_space<hbm>>) target(%arg10 : memref<416x16xf32, #tpu.memory_space<vmem>>) offsets(%arg9 : memref<416xi32, #tpu.memory_space<vmem>>) semaphore(%arg11 : memref<!tpu.dma_semaphore, #tpu.memory_space<semaphore_mem>>)
      %dma_wait3A_76 = arith.constant 0 : i32
      %dma_wait3A_77 = arith.constant 0 : i32
      %dma_wait3A_78 = tpu.memref_slice %arg3[%dma_wait3A_76, %dma_wait3A_77] : memref<1024x16xf32, #tpu.memory_space<hbm>> -> memref<1024x16xf32, #tpu.memory_space<hbm>>
      tpu.wait_indirect_dma semaphore(%arg11 : memref<!tpu.dma_semaphore, #tpu.memory_space<semaphore_mem>>) src(%dma_wait3A_78 : memref<1024x16xf32, #tpu.memory_space<hbm>>) dst(%arg10 : memref<416x16xf32, #tpu.memory_space<vmem>>)
      "tpu.region"() ({
        %run_scoped3A = tpu.sem_alloc : memref<!tpu.dma_semaphore, #tpu.memory_space<semaphore_mem>>
        %dma_start3A_79 = arith.constant 48 : i32
        %dma_start3A_80 = tpu.memref_slice %arg6[%add3A_14, %dma_start3A_79] : memref<106496x80xf32, #tpu.memory_space<hbm>> -> memref<416x16xf32, #tpu.memory_space<hbm>>
        %dma_start3A_81 = arith.constant 48 : i32
        %dma_start3A_82 = tpu.memref_slice %arg6[%add3A_14, %dma_start3A_81] : memref<106496x80xf32, #tpu.memory_space<hbm>> -> memref<416x16xf32, #tpu.memory_space<hbm>>
        tpu.enqueue_dma source(%arg10 : memref<416x16xf32, #tpu.memory_space<vmem>>) target(%dma_start3A_82 : memref<416x16xf32, #tpu.memory_space<hbm>>) target_semaphore(%run_scoped3A : memref<!tpu.dma_semaphore, #tpu.memory_space<semaphore_mem>>)
        %dma_wait3A_83 = arith.constant 48 : i32
        %dma_wait3A_84 = tpu.memref_slice %arg6[%add3A_14, %dma_wait3A_83] : memref<106496x80xf32, #tpu.memory_space<hbm>> -> memref<416x16xf32, #tpu.memory_space<hbm>>
        %dma_wait3A_85 = arith.constant 48 : i32
        %dma_wait3A_86 = tpu.memref_slice %arg6[%add3A_14, %dma_wait3A_85] : memref<106496x80xf32, #tpu.memory_space<hbm>> -> memref<416x16xf32, #tpu.memory_space<hbm>>
        tpu.wait_dma2 semaphore(%run_scoped3A : memref<!tpu.dma_semaphore, #tpu.memory_space<semaphore_mem>>) src(%arg10 : memref<416x16xf32, #tpu.memory_space<vmem>>) dst(%dma_wait3A_86 : memref<416x16xf32, #tpu.memory_space<hbm>>)
        tpu.yield
      }) : () -> ()
    }
    %scan3A_4 = arith.constant 8 : i32
    return
  }
}

</mosaic_0001>

<sc_bundles>
// kernel: kernel.3.cloned.1.call-start
scs
__scs_entry_jumppad:
0x0: {  	(pc) =	sbr.rel $0x88, $3  }
0x1: {  	(tag) =	ssettag $0x0;
	lr =	simm.s32 $0x1  }
0x2: {  	[smem:$0x3F9D] =	sst lr;
	_ =	strace $0xD0000000  }
0x3: {  	_ = 	snop  }
0x4: {  	_ = 	snop  }
0x5: {  	_ = 	snop  }
0x6: {  	_ = 	snop  }
0x7: {  	_ = 	snop  }
__scs_overlays_trampoline_lowered:
0x8: {  	[smem:$0x3FAC] =	sst s0  }
0x9: {  	[smem:$0x3FAD] =	sst s1  }
0xa: {  	[smem:$0x3FAE] =	sst s2  }
0xb: {  	[smem:$0x3FAF] =	sst s3  }
0xc: {  	[smem:$0x3FB0] =	sst s4  }
0xd: {  	[smem:$0x3FB1] =	sst s5  }
0xe: {  	[smem:$0x3FB2] =	sst s6  }
0xf: {  	[smem:$0x3FB3] =	sst s7  }
0x10: {  	[smem:$0x3FB4] =	sst s8  }
0x11: {  	[smem:$0x3FB5] =	sst s9;
	s0 =	simm.s32 @!p0 $0x0  }
0x12: {  	s1 =	sld [smem:$0x3F9B];
	s0 =	simm.s32 @p0 $0x1  }
0x13: {  	[smem:$0x3FB6] =	sst s0;
	s0 =	simm.s32 @!p1 $0x0  }
0x14: {  	s2 =	sld [smem:$0x3F9A];
	s0 =	simm.s32 @p1 $0x1  }
0x15: {  	[smem:$0x3FB7] =	sst s0;
	s0 =	simm.s32 @!p2 $0x0  }
0x16: {  	s3 =	sld [smem:$0x3FDB];
	s0 =	simm.s32 @p2 $0x1  }
0x17: {  	s4 =	simm.s32 $0x1BF5;
	[smem:$0x3FB9] =	sst s0  }
0x18: {  	s0 =	sld [smem:$0x3F9C];
	_ =	swait.ge [sflag:s4], $0x0  }
0x19: {  	s7 =	sld [smem:$0x3F9D]  }
0x1a: {  	s8 =	sadd.s32 $0xFFFFE003, lr  }
0x1b: {  	s9 =	sadd.s32 $0xFFFFFEF7, lr;
	s5 =	simm.s32 $0xFFFFFFFF;
	p2 =	slt.u32 s8, $0xFFFFF086  }
0x1c: {  	p1 =	slt.u32 s9, $0xF7A;
	s5 =	simm.s32 @!p2 $0x0  }
0x1d: {  	s5 =	simm.s32 @p1 $0x1;
	p0 =	seq.s32 s7, s2  }
0x1e: {  	s7 =	smul.u32 @!p0 $0xF7A, s2;
	p2 =	seq.s32 @!p0 s5, $0x0  }
0x1f: {  	s9 =	smul.u32 $0xF7A, s1;
	s8 =	simm.s32 @!p0 $0x1BF5;
	p2 =	por !p2, p0  }
0x20: {  	[sflag:s8] =	ssyncset.s32 @!p0 $0xFFFFF086;
	s6 =	sadd.s32 @!p0 s3, s7;
	s7 =	simm.s32 @!p0 $0x108  }
0x21: {  	s3 =	sadd.s32 s3, s9;
	s6 =	sadd.s32 @!p0 $0x88, s6;
	s7 =	simm.s32 @p2 $0x1082  }
0x22: {  	[simem:s7], [sflag:s8] =	dma.local @!p0 [hbm:s6], $0xF7A  }
0x23: {  	s9 =	sor.u32 $0xD0000000, s2;
	s6 =	simm.s32 $0x108;
	_ =	swait.ge @!p0 [sflag:s8], $0x0  }
0x24: {  	s3 =	sadd.s32 $0x88, s3;
	s6 =	simm.s32 @!p1 $0x1082;
	[sflag:s4] =	ssyncset.s32 $0xFFFFF086  }
0x25: {  	[simem:s6], [sflag:s4] =	dma.local [hbm:s3], $0xF7A  }
0x26: {  	[smem:$0x3F9D] =	sst s1;
	(tag) =	ssettag s2;
	_ =	strace s9  }
0x27: {  	s1 =	sld [smem:$0x3FAD]  }
0x28: {  	s2 =	sld [smem:$0x3FAE]  }
0x29: {  	s4 =	sld [smem:$0x3FB0]  }
0x2a: {  	p0 =	seq.s32 s5, $0x0;
	s5 =	sld [smem:$0x3FB1]  }
0x2b: {  	s6 =	sld [smem:$0x3FB2]  }
0x2c: {  	s7 =	sld [smem:$0x3FB3]  }
0x2d: {  	s3 =	simm.s32 $0x108;
	s8 =	sld [smem:$0x3FB4]  }
0x2e: {  	s3 =	simm.s32 @!p0 $0x1082;
	s9 =	sld [smem:$0x3FB5]  }
0x2f: {  	lr =	sadd.s32 s0, s3;
	s0 =	sld [smem:$0x3FAC]  }
0x30: {  	s3 =	sld [smem:$0x3FAF]  }
0x31: {  	[smem:$0x3FB8] =	sst s10  }
0x32: {  	s10 =	sld [smem:$0x3FB6];
	_ =	sdelay $0x3  }
0x33: {  	p0 =	seq.s32 s10, $0x1;
	s10 =	sld [smem:$0x3FB8];
	_ =	sdelay $0x3  }
0x34: {  	[smem:$0x3FB8] =	sst s10  }
0x35: {  	s10 =	sld [smem:$0x3FB7];
	_ =	sdelay $0x3  }
0x36: {  	p1 =	seq.s32 s10, $0x1;
	s10 =	sld [smem:$0x3FB8];
	_ =	sdelay $0x3  }
0x37: {  	[smem:$0x3FB8] =	sst s10  }
0x38: {  	s10 =	sld [smem:$0x3FB9]  }
0x39: {  	_ = 	snop;
	(pc) =	sbr.ind lr, $3  }
0x3a: {  	_ = 	snop  }
0x3b: {  	_ = 	snop  }
0x3c: {  	p2 =	seq.s32 s10, $0x1;
	s10 =	sld [smem:$0x3FB8]  }
0x3d: {  	_ =	shalt  }
0x3e: {  	_ =	shalt  }
0x3f: {  	_ =	shalt  }
0x40: {  	_ =	shalt  }
0x41: {  	_ =	shalt  }
0x42: {  	_ =	shalt  }
0x43: {  	_ =	shalt  }
0x44: {  	_ =	shalt  }
0x45: {  	_ =	shalt  }
0x46: {  	_ =	shalt  }
0x47: {  	_ =	shalt  }
0x48: {  	_ =	shalt  }
0x49: {  	_ =	shalt  }
0x4a: {  	_ =	shalt  }
0x4b: {  	_ =	shalt  }
0x4c: {  	_ =	shalt  }
0x4d: {  	_ =	shalt  }
0x4e: {  	_ =	shalt  }
0x4f: {  	_ =	shalt  }
0x50: {  	_ =	shalt  }
0x51: {  	_ =	shalt  }
0x52: {  	_ =	shalt  }
0x53: {  	_ =	shalt  }
0x54: {  	_ =	shalt  }
0x55: {  	_ =	shalt  }
0x56: {  	_ =	shalt  }
0x57: {  	_ =	shalt  }
0x58: {  	_ =	shalt  }
0x59: {  	_ =	shalt  }
0x5a: {  	_ =	shalt  }
0x5b: {  	_ =	shalt  }
0x5c: {  	_ =	shalt  }
0x5d: {  	_ =	shalt  }
0x5e: {  	_ =	shalt  }
0x5f: {  	_ =	shalt  }
0x60: {  	_ =	shalt  }
0x61: {  	_ =	shalt  }
0x62: {  	_ =	shalt  }
0x63: {  	_ =	shalt  }
0x64: {  	_ =	shalt  }
0x65: {  	_ =	shalt  }
0x66: {  	_ =	shalt  }
0x67: {  	_ =	shalt  }
0x68: {  	_ =	shalt  }
0x69: {  	_ =	shalt  }
0x6a: {  	_ =	shalt  }
0x6b: {  	_ =	shalt  }
0x6c: {  	_ =	shalt  }
0x6d: {  	_ =	shalt  }
0x6e: {  	_ =	shalt  }
0x6f: {  	_ =	shalt  }
0x70: {  	_ =	shalt  }
0x71: {  	_ =	shalt  }
0x72: {  	_ =	shalt  }
0x73: {  	_ =	shalt  }
0x74: {  	_ =	shalt  }
0x75: {  	_ =	shalt  }
0x76: {  	_ =	shalt  }
0x77: {  	_ =	shalt  }
0x78: {  	_ =	shalt  }
0x79: {  	_ =	shalt  }
0x7a: {  	_ =	shalt  }
0x7b: {  	_ =	shalt  }
0x7c: {  	_ =	shalt  }
0x7d: {  	_ =	shalt  }
0x7e: {  	_ =	shalt  }
0x7f: {  	_ =	shalt  }
0x80: {  	_ =	shalt  }
0x81: {  	_ =	shalt  }
0x82: {  	_ =	shalt  }
0x83: {  	_ =	shalt  }
0x84: {  	_ =	shalt  }
0x85: {  	_ =	shalt  }
0x86: {  	_ =	shalt  }
0x87: {  	_ =	shalt  }
.Lfunc_end0:
.L_simem_size_0:
called_computation.1_lowered:
.L_overlay_start_0:
0x88: {  	s2 =	sld [smem:$0x3FD9]  }
0x89: {  	s3 =	sld [smem:$0x3FFE];
	_ =	sdelay $0x1  }
0x8a: {  	s1 =	srdreg.scid  }
0x8b: {  	s0 =	sand.u32 $0x1, s1  }
0x8c: {  	s17 =	sshll.u32 s0, $0xA;
	s2 =	sadd.s32 s3, s2  }
0x8d: {  	s2 =	sadd.s32 s2, s17  }
0x8e: {  	[smem:$0x3FC4] =	sst s2  }
0x8f: {  	_ = 	snop  }
0x90: {  	s2 =	sld [smem:$0x3FD0];
	(tm) =	ssettm $0x1  }
0x91: {  	s18 =	sld [smem:$0x3FFB];
	_ =	sdelay $0x3  }
0x92: {  	_ =	strace s18  }
0x93: {  	s3 =	sld [smem:$0x3FFC];
	_ =	sdelay $0x3  }
0x94: {  	_ =	strace s3  }
0x95: {  	s3 =	sld [smem:$0x3FFD];
	_ =	sdelay $0x3  }
0x96: {  	_ =	strace s3  }
0x97: {  	_ =	strace $0x8FFFFFFF  }
0x98: {  	s19 =	sld [smem:$0x3FDB];
	_ =	sdelay $0x1  }
0x99: {  	s4 =	simm.s32 $_scs_section_size  }
0x9a: {  	s5 =	simm.s32 $_size__tile_overlayer_lowered;
	s6 =	simm.s32 $_tile_overlayer_lowered  }
0x9b: {  	s22 =	simm.s32 $0x1BFF;
	s21 =	sshll.u32 s6, $0x1;
	s3 =	sadd.s32 s4, s19  }
0x9c: {  	s7 =	simm.s32 $0x0;
	s20 =	sshll.u32 s5, $0x1;
	s5 =	sadd.s32 s21, s3  }
0x9d: {  	[timem:s7], [sflag:s22] =	dma.local [hbm:s5], s20  }
0x9e: {  	_ =	swait.ge [sflag:s22], s20  }
0x9f: {  	s4 =	ssub.s32 $0x0, s20;
	[sflag:s22] =	ssyncset.done $0x0  }
0xa0: {  	[sflag:s22] =	ssyncadd.s32 s4;
	_ =	sdelay $0x1  }
0xa1: {  	s23 =	simm.s32 $0x1B8B  }
0xa2: {  	_ =	swait.ge [sflag:s23], $0x1  }
0xa3: {  	[sflag:s23] =	ssyncset.done $0x0  }
0xa4: {  	s25 =	simm.s32 $0x1B8E;
	s24 =	sld [smem:$0x3FFE];
	[sflag:s23] =	ssyncadd.s32 $0xFFFFFFFF  }
0xa5: {  	s26 =	simm.s32 $execute0_lowered;
	[smem:$0x3FD2] =	sst s25  }
0xa6: {  	s5 =	sshll.u32 s26, $0x1;
	_ =	strace $0x80000046;
	[dreg:$0x1] =	wrdreg $0xFFFFFFFF  }
0xa7: {  	s28 =	simm.s32 $_size_execute0_lowered;
	s3 =	sadd.s32 s3, s5;
	[dreg:$0x0] =	wrdreg $0x0  }
0xa8: {  	s5 =	sshll.u32 s28, $0x1;
	[dreg:$0x2] =	wrdreg s3  }
0xa9: {  	[dreg:$0x3] =	wrdreg s5  }
0xaa: {  	[dreg:$0x4] =	wrdreg $0xC0  }
0xab: {  	_ =	task [dreg:s7], $0x5FFFF  }
0xac: {  	[dreg:$0x1] =	wrdreg $0xFFFFFFFF  }
0xad: {  	[dreg:$0x0] =	wrdreg $0x60  }
0xae: {  	[dreg:$0x2] =	wrdreg s24  }
0xaf: {  	[dreg:$0x3] =	wrdreg s2  }
0xb0: {  	[dreg:$0x4] =	wrdreg $0x9  }
0xb1: {  	_ =	task.clear_ibuf [dreg:s7], $0x5FFFF;
	_ =	strace $0x90000046  }
0xb2: {  	s29 =	simm.s32 $0x9;
	_ =	strace $0x80000048  }
0xb3: {  	_ =	swait.ge [sflag:s29], $0x1  }
0xb4: {  	[sflag:s29] =	ssyncadd.s32 $0xFFFFFFFF  }
0xb5: {  	_ =	strace $0x90000048  }
0xb6: {  	_ =	sfence  }
0xb7: {  	s30 =	sld [smem:$0x0];
	_ =	sdelay $0x2  }
0xb8: {  	s31 =	sshll.u32 s1, $0xD;
	s1 =	sshrl.u32 s1, $0x2  }
0xb9: {  	s3 =	sand.u32 $0x4000, s31;
	s1 =	sadd.s32 s1, s30  }
0xba: {  	s0 =	sor.u32 s3, s0;
	s1 =	sshll.u32 s1, $0x11  }
0xbb: {  	s0 =	sor.u32 s1, s0  }
0xbc: {  	s0 =	sadd.s32 $0x8F2B, s0  }
0xbd: {  	[sflag:s0] =	ssyncadd.remote.s32 $0x1  }
0xbe: {  	_ =	sfence.sel $0xFFFF  }
0xbf: {  	[dreg:$0x0] =	wrdreg $0xFFFFFFFF;
	(pc) =	sbr.abs _section_cstart, $3  }
0xc0: {  	[dreg:$0x1] =	wrdreg $0xFFFFFFFF  }
0xc1: {  	_ =	task.clear_ibuf [dreg:s7], $0x2FFFF;
	_ =	strace $0x9FFFFFFF  }
0xc2: {  	(tm) =	ssettm $0x7FFFFFFF  }
0xc3: {  	_ =	shalt  }
tec
execute0_lowered:
.L_overlay_start_1:
0x0: {  	(tag) =	ssettag $0x1  }
0x1: {  	s7 =	rddreg [dreg:$0x0]  }
0x2: {  	s1 =	rddreg [dreg:$0x1]  }
0x3: {  	s0 =	rddreg [dreg:$0x2];
	s2 =	simm.s32 $0x0  }
0x4: {  	s5 =	srdreg.scid;
	s3 =	stileid.u32;
	s14 =	simm.s32 $0x2  }
0x5: {  	s15 =	simm.s32 $0x1A0;
	s16 =	simm.s32 $0x4E0;
	s17 =	simm.s32 $0x1  }
0x6: {  	s18 =	simm.s32 $0x10;
	s19 =	simm.s32 $0x50;
	s20 =	simm.s32 $0x340  }
0x7: {  	[smem:$0x7FF] =	sst s2;
	s4 =	sadd.s32 $0x7B000, s7;
	s8 =	sand.u32 $0x1, s5  }
0x8: {  	s5 =	sadd.s32 $0x7E400, s7;
	s10 =	sshll.u32 s3, $0x1;
	s6 =	sadd.s32 $0xE00, s7  }
0x9: {  	s7 =	sadd.s32 $0xF43200, s7;
	s12 =	sadd.s32 $0x6, s1;
	s9 =	ssub.s32 $0x2, s8  }
0xa: {  	_ =	strace $0x80000047;
	s8 =	sor.u32 s8, s10;
	s11 =	sshrl.u32 s9, $0x1  }
0xb: {  	s10 =	sadd.s32 $0x2, s1;
	s8 =	smul.u32 $0xD00, s8;
	s13 =	ssub.s32 s9, s11  }
0xc: {  	s9 =	sadd.s32 $0x8, s1;
	s11 =	sadd.s32 $0x4, s1;
	s13 =	smax.u32 s13, $0x1  }
.LBB2_1:
0xd: {  	s21 =	simm.s32 $0x0  }
.LBB2_2:
0xe: {  	s22 =	smul.u32 $0x1A0, s21;
	_ =	sdelay $0x1  }
0xf: {  	s22 =	sadd.s32 s8, s22  }
0x10: {  	s23 =	sshrl.u32 s22, $0x3  }
0x11: {  	s24 =	simm.s32 $0x0;
	s23 =	sadd.s32 s4, s23  }
0x12: {  	[tilespmem:s24], [sflag:$0x2] =	stream.linear.gather [hbm4b:s23+s24], $0x1A0, $0x38;
	[tilespmem:$0x1EE0] =	vst v63  }
0x13: {  	_ =	swait.ge [sflag:s14], $0x1A0  }
0x14: {  	[sflag:s14] =	ssyncset.done $0x0  }
0x15: {  	[sflag:s14] =	ssyncadd.s32 $0xFFFFFE60  }
0x16: {  	[tilespmem:s16], [sflag:$0x1] =	stream.indirect.gather [hbm4b:s7+s15], $0x10, s24, s15, $0xb8;
	[tilespmem:$0x1EE0] =	vst v63  }
0x17: {  	s22 =	smul.u32 $0xA, s22;
	_ =	swait.ge [sflag:s17], $0x1A00  }
0x18: {  	[sflag:s17] =	ssyncset.done $0x0  }
0x19: {  	s31 =	sadd.s32 s22, s9;
	[sflag:s17] =	ssyncadd.s32 $0xFFFFE600  }
0x1a: {  	[hbm4b:s31+s18] =	stream.strided.scatter [tilespmem:s16], [sflag:$0x2], $0x1A00, s19, s18, $0x38;
	[tilespmem:$0x1EE0] =	vst v63  }
0x1b: {  	_ =	swait.ge [sflag:s14], $0x1A00  }
0x1c: {  	[sflag:s14] =	ssyncset.done $0x0  }
0x1d: {  	s23 =	simm.s32 $0x0;
	[sflag:s14] =	ssyncadd.s32 $0xFFFFE600  }
0x1e: {  	s24 =	simm.s32 $0x40;
	v0 =	vld [tilespmem:s23+$0x0]  }
.LBB2_3:
0x1f: {  	p0 =	sne.s32 s24, $0x640  }
.Ltmp0:
0x20: {  	_ = 	snop;
	(pc) =	sbr.rel @p0 .LBB2_3-.Ltmp0, $3  }
0x21: {  	_ =	sdelay $0x1  }
0x22: {  	[tilespmem:s23+$0x1A0] =	vst v0;
	s23 =	sshra.s32 s24, $0x2;
	s24 =	sadd.s32 $0x40, s24  }
0x23: {  	v0 =	vld [tilespmem:s23+$0x0]  }
0x24: {  	_ =	sdelay $0x3  }
0x25: {  	[tilespmem:s23+$0x1A0] =	vst v0  }
0x26: {  	[tilespmem:s20], [sflag:$0x1] =	stream.indirect.gather [hbm4b:s6+s15], $0x1, s15, s15, $0xb8;
	[tilespmem:$0x1EE0] =	vst v63  }
0x27: {  	_ =	swait.ge [sflag:s17], $0x1A0  }
0x28: {  	[sflag:s17] =	ssyncset.done $0x0  }
0x29: {  	[sflag:s17] =	ssyncadd.s32 $0xFFFFFE60  }
0x2a: {  	[tilespmem:s16], [sflag:$0x1] =	stream.indirect.gather [hbm4b:s5+s15], $0x10, s20, s15, $0xb8;
	[tilespmem:$0x1EE0] =	vst v63  }
0x2b: {  	_ =	swait.ge [sflag:s17], $0x1A00  }
0x2c: {  	[sflag:s17] =	ssyncset.done $0x0  }
0x2d: {  	s31 =	sadd.s32 s1, s22;
	[sflag:s17] =	ssyncadd.s32 $0xFFFFE600  }
0x2e: {  	[hbm4b:s31+s18] =	stream.strided.scatter [tilespmem:s16], [sflag:$0x2], $0x1A00, s19, s18, $0x38;
	[tilespmem:$0x1EE0] =	vst v63  }
0x2f: {  	_ =	swait.ge [sflag:s14], $0x1A00  }
0x30: {  	[sflag:s14] =	ssyncset.done $0x0  }
0x31: {  	s23 =	simm.s32 $0x0;
	[sflag:s14] =	ssyncadd.s32 $0xFFFFE600  }
0x32: {  	s24 =	simm.s32 $0x40;
	v0 =	vld [tilespmem:s23+$0x0]  }
.LBB2_5:
0x33: {  	p0 =	sne.s32 s24, $0x640  }
.Ltmp1:
0x34: {  	_ = 	snop;
	(pc) =	sbr.rel @p0 .LBB2_5-.Ltmp1, $3  }
0x35: {  	_ =	sdelay $0x1  }
0x36: {  	s25 =	sshra.s32 s24, $0x2;
	s24 =	sadd.s32 $0x40, s24;
	v1 =	vadd.s32 $0xF4240, v0  }
0x37: {  	v0 =	vld [tilespmem:s25+$0x0];
	[tilespmem:s23+$0x1A0] =	vst v1;
	s23 =	smov.u32 s25  }
0x38: {  	_ =	sdelay $0x3  }
0x39: {  	v0 =	vadd.s32 $0xF4240, v0  }
0x3a: {  	[tilespmem:s23+$0x1A0] =	vst v0  }
0x3b: {  	[tilespmem:s20], [sflag:$0x1] =	stream.indirect.gather [hbm4b:s6+s15], $0x1, s15, s15, $0xb8;
	[tilespmem:$0x1EE0] =	vst v63  }
0x3c: {  	_ =	swait.ge [sflag:s17], $0x1A0  }
0x3d: {  	[sflag:s17] =	ssyncset.done $0x0  }
0x3e: {  	[sflag:s17] =	ssyncadd.s32 $0xFFFFFE60  }
0x3f: {  	[tilespmem:s16], [sflag:$0x1] =	stream.indirect.gather [hbm4b:s5+s15], $0x10, s20, s15, $0xb8;
	[tilespmem:$0x1EE0] =	vst v63  }
0x40: {  	_ =	swait.ge [sflag:s17], $0x1A00  }
0x41: {  	[sflag:s17] =	ssyncset.done $0x0  }
0x42: {  	s31 =	sadd.s32 s22, s10;
	[sflag:s17] =	ssyncadd.s32 $0xFFFFE600  }
0x43: {  	[hbm4b:s31+s18] =	stream.strided.scatter [tilespmem:s16], [sflag:$0x2], $0x1A00, s19, s18, $0x38;
	[tilespmem:$0x1EE0] =	vst v63  }
0x44: {  	_ =	swait.ge [sflag:s14], $0x1A00  }
0x45: {  	[sflag:s14] =	ssyncset.done $0x0  }
0x46: {  	s23 =	simm.s32 $0x0;
	[sflag:s14] =	ssyncadd.s32 $0xFFFFE600  }
0x47: {  	s24 =	simm.s32 $0x40;
	v0 =	vld [tilespmem:s23+$0x0]  }
.LBB2_7:
0x48: {  	p0 =	sne.s32 s24, $0x640  }
.Ltmp2:
0x49: {  	_ = 	snop;
	(pc) =	sbr.rel @p0 .LBB2_7-.Ltmp2, $3  }
0x4a: {  	_ =	sdelay $0x1  }
0x4b: {  	s25 =	sshra.s32 s24, $0x2;
	s24 =	sadd.s32 $0x40, s24;
	v1 =	vadd.s32 $0x1E8480, v0  }
0x4c: {  	v0 =	vld [tilespmem:s25+$0x0];
	[tilespmem:s23+$0x1A0] =	vst v1;
	s23 =	smov.u32 s25  }
0x4d: {  	_ =	sdelay $0x3  }
0x4e: {  	v0 =	vadd.s32 $0x1E8480, v0  }
0x4f: {  	[tilespmem:s23+$0x1A0] =	vst v0  }
0x50: {  	[tilespmem:s20], [sflag:$0x1] =	stream.indirect.gather [hbm4b:s6+s15], $0x1, s15, s15, $0xb8;
	[tilespmem:$0x1EE0] =	vst v63  }
0x51: {  	_ =	swait.ge [sflag:s17], $0x1A0  }
0x52: {  	[sflag:s17] =	ssyncset.done $0x0  }
0x53: {  	[sflag:s17] =	ssyncadd.s32 $0xFFFFFE60  }
0x54: {  	[tilespmem:s16], [sflag:$0x1] =	stream.indirect.gather [hbm4b:s5+s15], $0x10, s20, s15, $0xb8;
	[tilespmem:$0x1EE0] =	vst v63  }
0x55: {  	_ =	swait.ge [sflag:s17], $0x1A00  }
0x56: {  	[sflag:s17] =	ssyncset.done $0x0  }
0x57: {  	s31 =	sadd.s32 s22, s11;
	[sflag:s17] =	ssyncadd.s32 $0xFFFFE600  }
0x58: {  	[hbm4b:s31+s18] =	stream.strided.scatter [tilespmem:s16], [sflag:$0x2], $0x1A00, s19, s18, $0x38;
	[tilespmem:$0x1EE0] =	vst v63  }
0x59: {  	_ =	swait.ge [sflag:s14], $0x1A00  }
0x5a: {  	[sflag:s14] =	ssyncset.done $0x0  }
0x5b: {  	s23 =	simm.s32 $0x0;
	[sflag:s14] =	ssyncadd.s32 $0xFFFFE600  }
0x5c: {  	s24 =	simm.s32 $0x40;
	v0 =	vld [tilespmem:s23+$0x0]  }
.LBB2_9:
0x5d: {  	p0 =	sne.s32 s24, $0x640  }
.Ltmp3:
0x5e: {  	_ = 	snop;
	(pc) =	sbr.rel @p0 .LBB2_9-.Ltmp3, $3  }
0x5f: {  	_ =	sdelay $0x1  }
0x60: {  	s25 =	sshra.s32 s24, $0x2;
	s24 =	sadd.s32 $0x40, s24;
	v1 =	vadd.s32 $0x2DC6C0, v0  }
0x61: {  	v0 =	vld [tilespmem:s25+$0x0];
	[tilespmem:s23+$0x1A0] =	vst v1;
	s23 =	smov.u32 s25  }
0x62: {  	_ =	sdelay $0x3  }
0x63: {  	v0 =	vadd.s32 $0x2DC6C0, v0  }
0x64: {  	[tilespmem:s23+$0x1A0] =	vst v0  }
0x65: {  	[tilespmem:s20], [sflag:$0x1] =	stream.indirect.gather [hbm4b:s6+s15], $0x1, s15, s15, $0xb8;
	[tilespmem:$0x1EE0] =	vst v63  }
0x66: {  	_ =	swait.ge [sflag:s17], $0x1A0  }
0x67: {  	[sflag:s17] =	ssyncset.done $0x0  }
0x68: {  	[sflag:s17] =	ssyncadd.s32 $0xFFFFFE60  }
0x69: {  	[tilespmem:s16], [sflag:$0x1] =	stream.indirect.gather [hbm4b:s5+s15], $0x10, s20, s15, $0xb8;
	[tilespmem:$0x1EE0] =	vst v63  }
0x6a: {  	s21 =	sadd.s32 $0x1, s21;
	_ =	swait.ge [sflag:s17], $0x1A00  }
0x6b: {  	p0 =	sne.s32 s21, $0x8;
	[sflag:s17] =	ssyncset.done $0x0  }
.Ltmp4:
0x6c: {  	s22 =	sadd.s32 s22, s12;
	[sflag:s17] =	ssyncadd.s32 $0xFFFFE600;
	(pc) =	sbr.rel @p0 .LBB2_2-.Ltmp4, $4  }
0x6d: {  	[hbm4b:s22+s18] =	stream.strided.scatter [tilespmem:s16], [sflag:$0x2], $0x1A00, s19, s18, $0x38;
	[tilespmem:$0x1EE0] =	vst v63  }
0x6e: {  	_ =	swait.ge [sflag:s14], $0x1A00  }
0x6f: {  	[sflag:s14] =	ssyncset.done $0x0  }
0x70: {  	[sflag:s14] =	ssyncadd.s32 $0xFFFFE600  }
0x71: {  	s2 =	sadd.s32 $0x1, s2  }
0x72: {  	p0 =	sne.s32 s2, s13  }
.Ltmp5:
0x73: {  	_ = 	snop;
	(pc) =	sbr.rel @p0 .LBB2_1-.Ltmp5, $1  }
0x74: {  	_ =	sdelay $0x3  }
0x75: {  	_ =	sfence.sel $0x180000  }
0x76: {  	[bflag:$0x0] =	sbarrier.arrive $0xFFFF  }
0x77: {  	p0 =	sne.s32 s3, $0x0;
	_ =	strace $0x90000047  }
0x78: {  	s0 =	sadd.s32 @!p0 $0x100000, s0;
	[bflag:$0x2] =	sbarrier.arrive $0xFFFF  }
0x79: {  	[sflag:s0] =	ssyncadd.tile.s32 @!p0 $0x1;
	_ =	shalt  }
.Lfunc_end2:
_tile_overlayer_lowered:
.L_overlay_start_2:
0x7a: {  	(tag) =	ssettag $0x2  }
0x7b: {  	s0 =	rddreg [dreg:$0x0];
	s2 =	stileid.u32  }
0x7c: {  	s1 =	rddreg [dreg:$0x1];
	p0 =	sne.s32 s2, $0x0  }
0x7d: {  	s3 =	rddreg [dreg:$0x2];
	[bflag:$0x3] =	sbarrier.arrive $0xFFFF;
	s2 =	simm.s32 @!p0 $0x1C02  }
0x7e: {  	[timem:s3], [sflag:s2] =	dma.local @!p0 [hbm:s0], s1  }
0x7f: {  	s0 =	simm.s32 @!p0 $0x2  }
0x80: {  	_ =	swait.ge @!p0 [sflag:s0], s1  }
0x81: {  	s1 =	ssub.s32 @!p0 $0x0, s1;
	[sflag:s0] =	ssyncset.done @!p0 $0x0  }
0x82: {  	[sflag:s0] =	ssyncadd.s32 @!p0 s1  }
0x83: {  	[bflag:$0x3] =	sbarrier.arrive $0xFFFF  }
0x84: {  	_ =	shalt  }

// kernel: sparse-core-data-format-call.cloned.1.call-start
scs
called_computation_lowered:
.L_overlay_start_0:
0x0: {  	s2 =	sld [smem:$0x3FD9]  }
0x1: {  	s3 =	sld [smem:$0x3FFE];
	_ =	sdelay $0x1  }
0x2: {  	s1 =	srdreg.scid  }
0x3: {  	s0 =	sand.u32 $0x1, s1  }
0x4: {  	s18 =	sshll.u32 s0, $0xA;
	s2 =	sadd.s32 s3, s2  }
0x5: {  	s2 =	sadd.s32 s2, s18  }
0x6: {  	[smem:$0x3FC4] =	sst s2  }
0x7: {  	_ = 	snop  }
0x8: {  	s2 =	sld [smem:$0x3FD0];
	(tm) =	ssettm $0x1  }
0x9: {  	s19 =	sld [smem:$0x3FFB];
	_ =	sdelay $0x3  }
0xa: {  	_ =	strace s19  }
0xb: {  	s3 =	sld [smem:$0x3FFC];
	_ =	sdelay $0x3  }
0xc: {  	_ =	strace s3  }
0xd: {  	s3 =	sld [smem:$0x3FFD];
	_ =	sdelay $0x3  }
0xe: {  	_ =	strace s3  }
0xf: {  	_ =	strace $0x8FFFFFFF  }
0x10: {  	s20 =	sld [smem:$0x3FDB];
	_ =	sdelay $0x1  }
0x11: {  	s4 =	simm.s32 $_scs_section_size  }
0x12: {  	s5 =	simm.s32 $_size__tile_overlayer_lowered;
	s6 =	simm.s32 $_tile_overlayer_lowered  }
0x13: {  	s23 =	simm.s32 $0x1BFF;
	s22 =	sshll.u32 s6, $0x1;
	s3 =	sadd.s32 s4, s20  }
0x14: {  	s7 =	simm.s32 $0x0;
	s21 =	sshll.u32 s5, $0x1;
	s5 =	sadd.s32 s22, s3  }
0x15: {  	[timem:s7], [sflag:s23] =	dma.local [hbm:s5], s21  }
0x16: {  	_ =	swait.ge [sflag:s23], s21  }
0x17: {  	s4 =	ssub.s32 $0x0, s21;
	[sflag:s23] =	ssyncset.done $0x0  }
0x18: {  	[sflag:s23] =	ssyncadd.s32 s4;
	_ =	sdelay $0x1  }
0x19: {  	s24 =	simm.s32 $0x1B8B  }
0x1a: {  	_ =	swait.ge [sflag:s24], $0x1  }
0x1b: {  	[sflag:s24] =	ssyncset.done $0x0  }
0x1c: {  	s26 =	simm.s32 $0x1B8E;
	s25 =	sld [smem:$0x3FFE];
	[sflag:s24] =	ssyncadd.s32 $0xFFFFFFFF  }
0x1d: {  	s27 =	simm.s32 $execute0_lowered;
	[smem:$0x3FD2] =	sst s26  }
0x1e: {  	s5 =	sshll.u32 s27, $0x1;
	_ =	strace $0x80000049;
	[dreg:$0x1] =	wrdreg $0xFFFFFFFF  }
0x1f: {  	s28 =	simm.s32 $_size_execute0_lowered;
	s3 =	sadd.s32 s3, s5;
	[dreg:$0x0] =	wrdreg $0x0  }
0x20: {  	s5 =	sshll.u32 s28, $0x1;
	[dreg:$0x2] =	wrdreg s3  }
0x21: {  	[dreg:$0x3] =	wrdreg s5  }
0x22: {  	[dreg:$0x4] =	wrdreg $0xC0  }
0x23: {  	_ =	task [dreg:s7], $0x5FFFF  }
0x24: {  	[dreg:$0x1] =	wrdreg $0xFFFFFFFF  }
0x25: {  	[dreg:$0x0] =	wrdreg $0x60  }
0x26: {  	[dreg:$0x2] =	wrdreg s25  }
0x27: {  	[dreg:$0x3] =	wrdreg s2  }
0x28: {  	[dreg:$0x4] =	wrdreg $0x9  }
0x29: {  	_ =	task.clear_ibuf [dreg:s7], $0x5FFFF;
	_ =	strace $0x90000049  }
0x2a: {  	s29 =	simm.s32 $0x9;
	_ =	strace $0x8000004B  }
0x2b: {  	_ =	swait.ge [sflag:s29], $0x1  }
0x2c: {  	[sflag:s29] =	ssyncadd.s32 $0xFFFFFFFF  }
0x2d: {  	_ =	strace $0x9000004B  }
0x2e: {  	_ =	sfence  }
0x2f: {  	s30 =	sld [smem:$0x0];
	_ =	sdelay $0x2  }
0x30: {  	s31 =	sshll.u32 s1, $0xD;
	s1 =	sshrl.u32 s1, $0x2  }
0x31: {  	s3 =	sand.u32 $0x4000, s31;
	s1 =	sadd.s32 s1, s30  }
0x32: {  	s0 =	sor.u32 s3, s0;
	s1 =	sshll.u32 s1, $0x11  }
0x33: {  	s0 =	sor.u32 s1, s0  }
0x34: {  	s0 =	sadd.s32 $0x8F2B, s0  }
0x35: {  	[sflag:s0] =	ssyncadd.remote.s32 $0x1  }
0x36: {  	_ =	sfence.sel $0xFFFF  }
0x37: {  	[dreg:$0x0] =	wrdreg $0xFFFFFFFF;
	(pc) =	sbr.abs _section_cstart, $3  }
0x38: {  	[dreg:$0x1] =	wrdreg $0xFFFFFFFF  }
0x39: {  	_ =	task.clear_ibuf [dreg:s7], $0x2FFFF;
	_ =	strace $0x9FFFFFFF  }
0x3a: {  	(tm) =	ssettm $0x7FFFFFFF  }
0x3b: {  	_ =	shalt  }
tec
execute0_lowered:
.L_overlay_start_1:
0x0: {  	(tag) =	ssettag $0x1  }
0x1: {  	s0 =	srdreg.scid  }
0x2: {  	s1 =	sshll.u32 s0, $0x4  }
0x3: {  	s6 =	rddreg [dreg:$0x0];
	s0 =	stileid.u32;
	s1 =	sand.u32 $0x10, s1  }
0x4: {  	s3 =	rddreg [dreg:$0x1];
	s1 =	sor.u32 s0, s1  }
0x5: {  	s5 =	simm.s32 $0x1;
	s31 =	simm.s32 $0x2;
	s2 =	sshll.u32 s1, $0x7  }
0x6: {  	s15 =	simm.s32 $0x0;
	s8 =	simm.s32 $0x8000;
	s4 =	ssub.s32 $0x1000, s2  }
0x7: {  	s14 =	simm.s32 $0x0;
	s9 =	simm.s32 $0x0;
	s30 =	sand.u32 $0xF80, s4  }
0x8: {  	s10 =	simm.s32 $0x0;
	s11 =	simm.s32 $0x0;
	p0 =	sne.s32 s30, $0x0  }
.Ltmp0:
0x9: {  	s7 =	sshrl.u32 s4, $0xC;
	s5 =	simm.s32 @!p0 $0x0;
	(pc) =	sbr.rel .LBB1_1-.Ltmp0, $4  }
0xa: {  	s13 =	simm.s32 $0x0;
	s1 =	rddreg [dreg:$0x2];
	s5 =	sadd.s32 s5, s7  }
0xb: {  	_ =	strace $0x8000004A;
	s4 =	simm.s32 $0x1;
	s5 =	smul.u32 $0x1A, s5  }
0xc: {  	s6 =	sadd.s32 $0xE00, s6;
	s12 =	smov.u32 s2;
	[sflag:s4] =	ssyncpa.u1 $0x0  }
0xd: {  	[sflag:s31] =	ssyncpa.u1 $0x0;
	p0 =	por $0x0, $0x0;
	s7 =	sor.u32 $0x1, s5  }
.LBB1_4:
0xe: {  	s20 =	sshra.s32 s20, $0x2;
	s28 =	sshll.u32 s10, $0x3;
	p1 =	sgt.s32 s9, $0x19  }
0xf: {  	s21 =	smov.u32 s9;
	s23 =	sshra.s32 s9, $0x1F;
	s24 =	smov.u32 s10  }
0x10: {  	v5 =	vld [tilespmem:s17+$0xFFFFFFD0];
	[tilespmem:s18+$0x2040 ss:$0x81] =	vst.msk $0xffff, v4;
	s25 =	sshra.s32 s10, $0x1F;
	s26 =	sand.u32 $0x78, s10;
	s19 =	sadd.s32 s20, s19  }
0x11: {  	v58 =	vld [tilespmem:s17+$0xFFFFFFE0];
	[tilespmem:s18+$0x2850 ss:$0x81] =	vst.msk $0xffff, v3;
	s22 =	sshrl.u32 s28, $0xC;
	s21 =	simm.s32 @!p1 $0x19;
	s23 =	sand.u32 s23, s9  }
0x12: {  	v59 =	vld [tilespmem:s17+$0xFFFFFFF0];
	[tilespmem:s18+$0x3060 ss:$0x81] =	vst.msk $0xffff, v2;
	p1 =	sgt.s32 s10, $0xF80;
	s29 =	sand.u32 s25, s10;
	s20 =	sand.u32 $0xC00, s28  }
0x13: {  	v60 =	vld [tilespmem:s17+$0x0];
	[tilespmem:s18+$0x0 ss:$0x81] =	vst.msk $0xffff, v0;
	s28 =	smul.u32 $0xA000, s9;
	s21 =	ssub.s32 s21, s23;
	s24 =	simm.s32 @!p1 $0xF80  }
0x14: {  	v61 =	vld [tilespmem:s17+$0x10];
	s30 =	smulhi.u32 $0x3333334, s22;
	[tilespmem:s19+$0x3870 ss:$0x81] =	vst.msk $0xffff, v1;
	s20 =	sor.u32 s26, s20;
	s31 =	ssub.s32 $0x1A, s21  }
0x15: {  	v62 =	vld [tilespmem:s17+$0x20];
	s23 =	ssub.s32 s24, s29;
	s21 =	sadd.s32 $0xFFFFFFE7, s21;
	s25 =	smul.u32 $0x50, s31;
	[tilespmem:s19+$0x810 ss:$0x81] =	vst.msk $0xffff, v5  }
0x16: {  	v63 =	vld [tilespmem:s17+$0xFFFFFFC0];
	s18 =	smul.u32 $0x50, s30;
	p1 =	sgt.s32 s21, $0x0;
	s27 =	sadd.s32 $0xFFFFF080, s23;
	[tilespmem:s19+$0x1020 ss:$0x81] =	vst.msk $0xffff, v58  }
0x17: {  	s17 =	ssub.s32 $0x1000, s23;
	[tilespmem:s19+$0x1830 ss:$0x81] =	vst.msk $0xffff, v59;
	s25 =	simm.s32 @p1 $0x0;
	p1 =	sgt.s32 s27, $0x7F  }
0x18: {  	s29 =	sand.u32 $0x7, s10;
	[tilespmem:s19+$0x2040 ss:$0x81] =	vst.msk $0xffff, v60;
	s18 =	ssub.s32 s22, s18;
	s17 =	simm.s32 @p1 $0x0  }
0x19: {  	s21 =	sadd.s32 s3, s28;
	[tilespmem:s19+$0x2850 ss:$0x81] =	vst.msk $0xffff, v61;
	s18 =	sshll.u32 s18, $0x9;
	s17 =	smul.u32 s17, s25  }
0x1a: {  	s20 =	sshrl.u32 s20, $0x3;
	s30 =	sshll.u32 s29, $0x12;
	[tilespmem:s19+$0x3060 ss:$0x81] =	vst.msk $0xffff, v62;
	s18 =	sadd.s32 s18, s21  }
0x1b: {  	[tilespmem:s19+$0x0 ss:$0x81] =	vst.msk $0xffff, v63;
	s31 =	sor.u32 $0x400, s30;
	s18 =	sadd.s32 s20, s18;
	s17 =	sand.u32 $0x3FFFFFF0, s17  }
0x1c: {  	[hbm4b:s18+s31] =	stream.strided.scatter [tilespmem:s16], [sflag:$0x2], s17, s8, s31, $0x20;
	[tilespmem:$0x10100] =	vst v63  }
.LBB1_5:
0x1d: {  	p1 =	slt.u32 s13, $0x2  }
0x1e: {  	s17 =	smov.u32 s15;
	p2 =	sgt.s32 @!p1 s15, $0x19;
	s16 =	sshra.s32 @!p1 s15, $0x1F  }
0x1f: {  	p3 =	sgt.s32 @!p1 s14, $0xF80;
	s18 =	sshra.s32 @!p1 s14, $0x1F;
	p2 =	por !p2, p1  }
0x20: {  	s15 =	sand.u32 @!p1 s16, s15;
	p3 =	por !p3, p1;
	s16 =	smov.u32 s14  }
0x21: {  	s14 =	sand.u32 @!p1 s18, s14;
	s17 =	simm.s32 @p2 $0x19;
	s16 =	simm.s32 @p3 $0xF80  }
0x22: {  	s18 =	smov.u32 s12;
	s15 =	ssub.s32 @!p1 s17, s15;
	s14 =	ssub.s32 @!p1 s16, s14  }
0x23: {  	s16 =	sadd.s32 @!p1 $0xFFFFFFE7, s15;
	s15 =	ssub.s32 @!p1 $0x1A, s15;
	s17 =	sadd.s32 @!p1 $0xFFFFF080, s14  }
0x24: {  	p2 =	sgt.s32 @!p1 s16, $0x0;
	s15 =	smul.u32 @!p1 $0x50, s15;
	p3 =	sgt.s32 @!p1 s17, $0x7F  }
0x25: {  	s14 =	ssub.s32 @!p1 $0x1000, s14;
	p2 =	por !p2, p1;
	p3 =	por !p3, p1  }
0x26: {  	s16 =	sadd.s32 $0x1, s11;
	s15 =	simm.s32 @!p2 $0x0;
	s14 =	simm.s32 @!p3 $0x0  }
0x27: {  	p2 =	sgt.s32 s16, $0x19;
	s14 =	smul.u32 @!p1 s14, s15;
	s15 =	sadd.s32 $0x1000, s12  }
0x28: {  	s18 =	smov.u32 @p2 s15  }
0x29: {  	s16 =	simm.s32 @p2 $0x0;
	p2 =	sgt.s32 s18, $0xFFF  }
0x2a: {  	s18 =	smov.u32 @p2 s2;
	p2 =	sne.s32 s13, s7  }
.Ltmp1:
0x2b: {  	p0 =	por !p0, !p0;
	s17 =	simm.s32 @!p1 $0x2;
	(pc) =	sbr.rel @!p2 .LBB1_6-.Ltmp1, $4  }
0x2c: {  	s15 =	smov.u32 s9;
	s9 =	smov.u32 s11;
	s14 =	sand.u32 @!p1 $0x3FFFFFF0, s14  }
0x2d: {  	s11 =	smov.u32 s16;
	_ =	swait.ge @!p1 [sflag:s17], s14;
	s19 =	ssub.s32 @!p1 $0x0, s14  }
0x2e: {  	s14 =	smov.u32 s10;
	s13 =	sadd.s32 $0x1, s13;
	[sflag:s17] =	ssyncset.done @!p1 $0x0  }
0x2f: {  	s10 =	smov.u32 s12;
	s12 =	smov.u32 s18;
	[sflag:s17] =	ssyncadd.s32 @!p1 s19  }
.LBB1_1:
0x30: {  	p1 =	sge.u32 s13, s5  }
0x31: {  	s31 =	sadd.s32 $0xFFFFFFFF, s13;
	s16 =	sxor.u32 @!p1 $0xFFFFFFFF, s13  }
0x32: {  	s17 =	sshll.u32 @!p1 s12, $0x9;
	s18 =	sshll.u32 @!p1 s11, $0x4;
	s19 =	simm.s32 @!p1 $0x1000  }
0x33: {  	s16 =	sshll.u32 @!p1 s16, $0xE;
	s18 =	sand.u32 @!p1 $0x1F0, s18;
	s17 =	sadd.s32 @!p1 s6, s17  }
0x34: {  	s16 =	sand.u32 @!p1 $0x4000, s16;
	s17 =	sadd.s32 @!p1 s18, s17;
	s18 =	simm.s32 @!p1 $0x80  }
0x35: {  	[tilespmem:s16], [sflag:$0x1] =	stream.strided.gather @!p1 [hbm4b:s17+s18], $0x4000, s19, s18, $0x38;
	[tilespmem:$0x10100] =	vst v63  }
0x36: {  	p1 =	sge.u32 s31, s5  }
.Ltmp2:
0x37: {  	_ = 	snop;
	(pc) =	sbr.rel @p1 .LBB1_5-.Ltmp2, $1  }
0x38: {  	_ =	sdelay $0x3  }
0x39: {  	s16 =	simm.s32 $0x1  }
0x3a: {  	_ =	swait.ge [sflag:s4], $0x4000;
	s16 =	simm.s32 @!p0 $0x0  }
0x3b: {  	[sflag:s4] =	ssyncset.done $0x0;
	s17 =	sshll.u32 s16, $0xE  }
0x3c: {  	[sflag:s4] =	ssyncadd.s32 $0xFFFFC000;
	s17 =	sor.u32 $0x40, s17  }
0x3d: {  	s16 =	smul.u32 $0x10200, s16;
	v0 =	vld [tilespmem:s17+$0x30]  }
0x3e: {  	v1 =	vld [tilespmem:s17+$0xFFFFFFD0]  }
0x3f: {  	s16 =	sshrl.u32 s16, $0x2;
	v5 =	vld [tilespmem:s17+$0xFFFFFFE0]  }
0x40: {  	v6 =	vld [tilespmem:s17+$0xFFFFFFF0];
	s19 =	sor.u32 $0x8000, s16  }
0x41: {  	s31 =	sand.u32 $0x1, s13;
	v4 =	vld [tilespmem:s17+$0x0];
	s18 =	sadd.s32 $0x0, s19  }
0x42: {  	v3 =	vld [tilespmem:s17+$0x10];
	s16 =	smul.u32 $0x10200, s31;
	[tilespmem:s18+$0x3870 ss:$0x81] =	vst.msk $0xffff, v0  }
0x43: {  	v2 =	vld [tilespmem:s17+$0x20];
	[tilespmem:s18+$0x810 ss:$0x81] =	vst.msk $0xffff, v1  }
0x44: {  	s16 =	sshrl.u32 s16, $0x2;
	v0 =	vld [tilespmem:s17+$0xFFFFFFC0];
	[tilespmem:s18+$0x1020 ss:$0x81] =	vst.msk $0xffff, v5;
	s17 =	sadd.s32 $0x80, s17  }
0x45: {  	s20 =	simm.s32 $0x4;
	s21 =	simm.s32 $0x8;
	s16 =	sor.u32 $0x8000, s16;
	[tilespmem:s18+$0x1830 ss:$0x81] =	vst.msk $0xffff, v6;
	v1 =	vld [tilespmem:s17+$0x30]  }
.LBB1_3:
0x46: {  	p1 =	sne.s32 s21, $0x1FC;
	v5 =	vld [tilespmem:s17+$0xFFFFFFD0];
	[tilespmem:s18+$0x2040 ss:$0x81] =	vst.msk $0xffff, v4  }
0x47: {  	v6 =	vld [tilespmem:s17+$0xFFFFFFE0];
	[tilespmem:s18+$0x2850 ss:$0x81] =	vst.msk $0xffff, v3  }
0x48: {  	s22 =	sshra.s32 s20, $0x2;
	s20 =	smov.u32 s21;
	v7 =	vld [tilespmem:s17+$0xFFFFFFF0];
	[tilespmem:s18+$0x3060 ss:$0x81] =	vst.msk $0xffff, v2  }
.Ltmp3:
0x49: {  	v4 =	vld [tilespmem:s17+$0x0];
	[tilespmem:s18+$0x0 ss:$0x81] =	vst.msk $0xffff, v0;
	s18 =	sadd.s32 s22, s19;
	(pc) =	sbr.rel @p1 .LBB1_3-.Ltmp3, $4  }
0x4a: {  	v3 =	vld [tilespmem:s17+$0x10];
	[tilespmem:s18+$0x3870 ss:$0x81] =	vst.msk $0xffff, v1  }
0x4b: {  	[tilespmem:s18+$0x810 ss:$0x81] =	vst.msk $0xffff, v5;
	v2 =	vld [tilespmem:s17+$0x20]  }
0x4c: {  	v0 =	vld [tilespmem:s17+$0xFFFFFFC0];
	[tilespmem:s18+$0x1020 ss:$0x81] =	vst.msk $0xffff, v6;
	s17 =	sadd.s32 $0x80, s17  }
0x4d: {  	s21 =	sadd.s32 $0x4, s21;
	v1 =	vld [tilespmem:s17+$0x30];
	[tilespmem:s18+$0x1830 ss:$0x81] =	vst.msk $0xffff, v7  }
.Ltmp4:
0x4e: {  	_ = 	snop;
	(pc) =	sbr.rel .LBB1_4-.Ltmp4, $1  }
0x4f: {  	_ =	sdelay $0x3  }
.LBB1_6:
0x50: {  	_ =	sfence.sel $0x180000  }
0x51: {  	s2 =	simm.s32 $0x1;
	[bflag:$0x0] =	sbarrier.arrive $0xFFFF  }
0x52: {  	s31 =	simm.s32 $0x2;
	[sflag:s2] =	ssyncpa.u1 $0x1  }
0x53: {  	[sflag:s31] =	ssyncpa.u1 $0x1  }
0x54: {  	p0 =	sne.s32 s0, $0x0;
	_ =	strace $0x9000004A  }
0x55: {  	s0 =	sadd.s32 @!p0 $0x100000, s1;
	[bflag:$0x2] =	sbarrier.arrive $0xFFFF  }
0x56: {  	[sflag:s0] =	ssyncadd.tile.s32 @!p0 $0x1;
	_ =	shalt  }
.Lfunc_end1:
_tile_overlayer_lowered:
.L_overlay_start_2:
0x57: {  	(tag) =	ssettag $0x2  }
0x58: {  	s0 =	rddreg [dreg:$0x0];
	s2 =	stileid.u32  }
0x59: {  	s1 =	rddreg [dreg:$0x1];
	p0 =	sne.s32 s2, $0x0  }
0x5a: {  	s3 =	rddreg [dreg:$0x2];
	[bflag:$0x3] =	sbarrier.arrive $0xFFFF;
	s2 =	simm.s32 @!p0 $0x1C01  }
0x5b: {  	[timem:s3], [sflag:s2] =	dma.local @!p0 [hbm:s0], s1  }
0x5c: {  	s0 =	simm.s32 @!p0 $0x1  }
0x5d: {  	_ =	swait.ge @!p0 [sflag:s0], s1  }
0x5e: {  	s1 =	ssub.s32 @!p0 $0x0, s1;
	[sflag:s0] =	ssyncset.done @!p0 $0x0  }
0x5f: {  	[sflag:s0] =	ssyncadd.s32 @!p0 s1  }
0x60: {  	[bflag:$0x3] =	sbarrier.arrive $0xFFFF  }
0x61: {  	_ =	shalt  }

</sc_bundles>
